<compile_context>
chip_gen: v7x
topology: tpu7x:2x2x1
jax: 0.10.2.dev20260603
libtpu: 0.0.44.dev20260713+nightly
codegen_flags: <defaults>
</compile_context>

<pallas_src>
import functools

import jax
import jax.numpy as jnp
from jax import lax
from jax.experimental import pallas as pl
from jax.experimental.pallas import tpu as pltpu
from jax.experimental.pallas import tpu_sc as plsc

B = 4096
L = 200
D = 128
N = B * L
NC = 2
NS = 16
NW = NC * NS
PER_W = N // NW
CHUNK = 128
NCHUNK = PER_W // CHUNK
NBUF = 4

_mesh = plsc.VectorSubcoreMesh(core_axis_name="c", subcore_axis_name="s")


@functools.partial(
    pl.kernel,
    mesh=_mesh,
    out_type=jax.ShapeDtypeStruct((N, D), jnp.float32),
    scratch_types=(
        [pltpu.VMEM((NCHUNK, CHUNK), jnp.int32)]
        + [pltpu.VMEM((CHUNK, D), jnp.float32) for _ in range(NBUF)]
        + [pltpu.SemaphoreType.DMA for _ in range(2 * NBUF)]
    ),
)
def _gather_kernel(x_hbm, w_hbm, out_hbm, idx_v, *bufs_and_sems):
    bufs = bufs_and_sems[:NBUF]
    gsem = bufs_and_sems[NBUF:2 * NBUF]
    osem = bufs_and_sems[2 * NBUF:3 * NBUF]

    wid = lax.axis_index("s") * NC + lax.axis_index("c")
    base = wid * PER_W
    pltpu.sync_copy(x_hbm.at[wid], idx_v)

    def start_gather(j, b):
        pltpu.async_copy(w_hbm.at[idx_v.at[j]], bufs[b], gsem[b])

    def wait_gather(b):
        pltpu.make_async_copy(w_hbm.at[idx_v.at[0]], bufs[b], gsem[b]).wait()

    def start_scatter(j, b):
        pltpu.async_copy(bufs[b], out_hbm.at[pl.ds(base + j * CHUNK, CHUNK)],
                         osem[b])

    def wait_scatter(b):
        pltpu.make_async_copy(bufs[b], out_hbm.at[pl.ds(base, CHUNK)],
                              osem[b]).wait()

    start_gather(0, 0)
    start_gather(1, 1)

    for j in (0, 1):
        wait_gather(j)
        start_scatter(j, j)
        start_gather(j + 2, j + 2)

    def body(g, carry):
        for b4 in range(NBUF):
            j = g * NBUF + 2 + b4
            b = (2 + b4) % NBUF
            wait_gather(b)
            start_scatter(j, b)
            bn = (b + 2) % NBUF
            wait_scatter(bn)
            start_gather(j + 2, bn)
        return carry

    lax.fori_loop(0, (NCHUNK - 4) // NBUF, body, 0)

    for j in (NCHUNK - 2, NCHUNK - 1):
        b = j % NBUF
        wait_gather(b)
        start_scatter(j, b)

    for b in range(NBUF):
        wait_scatter(b)


def kernel(x, target, text_inputs, W):
    del target, text_inputs
    x3 = x.reshape(NW, NCHUNK, CHUNK)
    out = _gather_kernel(x3, W)
    return out.reshape(B, L, D)

# --- scband reference (transcript-rebuilt; emitter-appended) ---
"""Pipeline reference for scband-word-rep-20942260535777 (READ-ONLY COPY).

The authoritative reference and input builder live on the scoring server;
editing this copy changes nothing except your own understanding.
"""

import jax, jax.numpy as jnp
import numpy as np

VOCAB = 100002  # len(dicts['w2ind']) + 2
EMBED_DIM = 128
B = 4096
L = 200

def setup_inputs(seed: int = 0) -> dict:
    key = jax.random.key(seed)
    k1, k2, k3, k4 = jax.random.split(key, 4)
    x = jax.random.randint(k1, (B, L), 0, VOCAB, dtype=jnp.int32)
    target = jax.random.randint(k2, (B, 50), 0, 2, dtype=jnp.int32)
    text_inputs = jax.random.randint(k3, (B, L), 0, VOCAB, dtype=jnp.int32)
    # nn.Embedding weight (padding_idx=0 -> row 0 zeroed)
    W = jax.random.normal(k4, (VOCAB, EMBED_DIM), dtype=jnp.float32)
    W = W.at[0].set(0.0)
    return {"x": x, "target": target, "text_inputs": text_inputs, "W": W}

def reference(x, target, text_inputs, W):
    # features = [self.embed(x)]  -> single feature, cat over dim=2 is identity
    feat = jnp.take(W, x, axis=0)            # [B, L, D] gather (embedding lookup)
    out = jnp.concatenate([feat], axis=2)    # faithful to torch.cat(features, dim=2)
    # embed_drop: dropout in eval mode = identity
    return out

if __name__ == "__main__":
    import jax
    _d = setup_inputs()
    print(jax.jit(kernel)(*tuple(_d.values())))

</pallas_src>

<mosaic_0001>
#map = affine_map<(d0, d1) -> (0, 0, 0)>
#map1 = affine_map<(d0, d1) -> (0, 0)>
module attributes {stable_mosaic.version = 14 : i64} {
  func.func @_gather_kernel(%arg0: i32, %arg1: i32, %arg2: memref<32x200x128xi32, #tpu.memory_space<hbm>>, %arg3: memref<100002x128xf32, #tpu.memory_space<hbm>>, %arg4: memref<819200x128xf32, #tpu.memory_space<hbm>>, %arg5: memref<200x128xi32, #tpu.memory_space<vmem>>, %arg6: memref<128x128xf32, #tpu.memory_space<vmem>>, %arg7: memref<128x128xf32, #tpu.memory_space<vmem>>, %arg8: memref<128x128xf32, #tpu.memory_space<vmem>>, %arg9: memref<128x128xf32, #tpu.memory_space<vmem>>, %arg10: memref<!tpu.dma_semaphore, #tpu.memory_space<semaphore_mem>>, %arg11: memref<!tpu.dma_semaphore, #tpu.memory_space<semaphore_mem>>, %arg12: memref<!tpu.dma_semaphore, #tpu.memory_space<semaphore_mem>>, %arg13: memref<!tpu.dma_semaphore, #tpu.memory_space<semaphore_mem>>, %arg14: memref<!tpu.dma_semaphore, #tpu.memory_space<semaphore_mem>>, %arg15: memref<!tpu.dma_semaphore, #tpu.memory_space<semaphore_mem>>, %arg16: memref<!tpu.dma_semaphore, #tpu.memory_space<semaphore_mem>>, %arg17: memref<!tpu.dma_semaphore, #tpu.memory_space<semaphore_mem>>) attributes {dimension_semantics = [#tpu.dimension_semantics<core_parallel>, #tpu.dimension_semantics<subcore_parallel>], iteration_bounds = array<i64: 2, 16>, scalar_prefetch = 0 : i64, scratch_operands = 13 : i64, tpu.core_type = #tpu.core_type<sc_vector_subcore>, window_params = [{transform_indices = #map}, {transform_indices = #map1}, {transform_indices = #map1}]} {
    %mul3A = arith.constant 2 : i32
    %mul3A_0 = arith.muli %arg1, %mul3A : i32
    %add3A = arith.addi %mul3A_0, %arg0 : i32
    %mul3A_1 = arith.constant 25600 : i32
    %mul3A_2 = arith.muli %add3A, %mul3A_1 : i32
    "tpu.region"() ({
      %run_scoped3A = tpu.sem_alloc : memref<!tpu.dma_semaphore, #tpu.memory_space<semaphore_mem>>
      %dma_start3A_102 = arith.constant 0 : i32
      %dma_start3A_103 = arith.constant 0 : i32
      %dma_start3A_104 = tpu.memref_slice %arg2[%add3A, %dma_start3A_102, %dma_start3A_103] : memref<32x200x128xi32, #tpu.memory_space<hbm>> -> memref<1x200x128xi32, #tpu.memory_space<hbm>>
      %dma_start3A_105 = tpu.memref_squeeze %dma_start3A_104 : memref<1x200x128xi32, #tpu.memory_space<hbm>> -> memref<200x128xi32, #tpu.memory_space<hbm>>
      %dma_start3A_106 = arith.constant 0 : i32
      %dma_start3A_107 = arith.constant 0 : i32
      %dma_start3A_108 = tpu.memref_slice %arg2[%add3A, %dma_start3A_106, %dma_start3A_107] : memref<32x200x128xi32, #tpu.memory_space<hbm>> -> memref<1x200x128xi32, #tpu.memory_space<hbm>>
      %dma_start3A_109 = tpu.memref_squeeze %dma_start3A_108 : memref<1x200x128xi32, #tpu.memory_space<hbm>> -> memref<200x128xi32, #tpu.memory_space<hbm>>
      tpu.enqueue_dma source(%dma_start3A_109 : memref<200x128xi32, #tpu.memory_space<hbm>>) target(%arg5 : memref<200x128xi32, #tpu.memory_space<vmem>>) target_semaphore(%run_scoped3A : memref<!tpu.dma_semaphore, #tpu.memory_space<semaphore_mem>>)
      %dma_wait3A_110 = arith.constant 0 : i32
      %dma_wait3A_111 = arith.constant 0 : i32
      %dma_wait3A_112 = tpu.memref_slice %arg2[%add3A, %dma_wait3A_110, %dma_wait3A_111] : memref<32x200x128xi32, #tpu.memory_space<hbm>> -> memref<1x200x128xi32, #tpu.memory_space<hbm>>
      %dma_wait3A_113 = tpu.memref_squeeze %dma_wait3A_112 : memref<1x200x128xi32, #tpu.memory_space<hbm>> -> memref<200x128xi32, #tpu.memory_space<hbm>>
      %dma_wait3A_114 = arith.constant 0 : i32
      %dma_wait3A_115 = arith.constant 0 : i32
      %dma_wait3A_116 = tpu.memref_slice %arg2[%add3A, %dma_wait3A_114, %dma_wait3A_115] : memref<32x200x128xi32, #tpu.memory_space<hbm>> -> memref<1x200x128xi32, #tpu.memory_space<hbm>>
      %dma_wait3A_117 = tpu.memref_squeeze %dma_wait3A_116 : memref<1x200x128xi32, #tpu.memory_space<hbm>> -> memref<200x128xi32, #tpu.memory_space<hbm>>
      tpu.wait_dma2 semaphore(%run_scoped3A : memref<!tpu.dma_semaphore, #tpu.memory_space<semaphore_mem>>) src(%dma_wait3A_117 : memref<200x128xi32, #tpu.memory_space<hbm>>) dst(%arg5 : memref<200x128xi32, #tpu.memory_space<vmem>>)
      tpu.yield
    }) : () -> ()
    %dma_start3A = arith.constant 0 : i32
    %dma_start3A_3 = arith.constant 0 : i32
    %dma_start3A_4 = tpu.memref_slice %arg5[%dma_start3A, %dma_start3A_3] : memref<200x128xi32, #tpu.memory_space<vmem>> -> memref<1x128xi32, #tpu.memory_space<vmem>>
    %dma_start3A_5 = tpu.memref_squeeze %dma_start3A_4 : memref<1x128xi32, #tpu.memory_space<vmem>> -> memref<128xi32, #tpu.memory_space<vmem>>
    %dma_start3A_6 = arith.constant 0 : i32
    %dma_start3A_7 = arith.constant 0 : i32
    %dma_start3A_8 = tpu.memref_slice %arg3[%dma_start3A_6, %dma_start3A_7] : memref<100002x128xf32, #tpu.memory_space<hbm>> -> memref<100002x128xf32, #tpu.memory_space<hbm>>
    tpu.enqueue_indirect_dma source(%dma_start3A_8 : memref<100002x128xf32, #tpu.memory_space<hbm>>) target(%arg6 : memref<128x128xf32, #tpu.memory_space<vmem>>) offsets(%dma_start3A_5 : memref<128xi32, #tpu.memory_space<vmem>>) semaphore(%arg10 : memref<!tpu.dma_semaphore, #tpu.memory_space<semaphore_mem>>)
    %dma_start3A_9 = arith.constant 1 : i32
    %dma_start3A_10 = arith.constant 0 : i32
    %dma_start3A_11 = tpu.memref_slice %arg5[%dma_start3A_9, %dma_start3A_10] : memref<200x128xi32, #tpu.memory_space<vmem>> -> memref<1x128xi32, #tpu.memory_space<vmem>>
    %dma_start3A_12 = tpu.memref_squeeze %dma_start3A_11 : memref<1x128xi32, #tpu.memory_space<vmem>> -> memref<128xi32, #tpu.memory_space<vmem>>
    %dma_start3A_13 = arith.constant 0 : i32
    %dma_start3A_14 = arith.constant 0 : i32
    %dma_start3A_15 = tpu.memref_slice %arg3[%dma_start3A_13, %dma_start3A_14] : memref<100002x128xf32, #tpu.memory_space<hbm>> -> memref<100002x128xf32, #tpu.memory_space<hbm>>
    tpu.enqueue_indirect_dma source(%dma_start3A_15 : memref<100002x128xf32, #tpu.memory_space<hbm>>) target(%arg7 : memref<128x128xf32, #tpu.memory_space<vmem>>) offsets(%dma_start3A_12 : memref<128xi32, #tpu.memory_space<vmem>>) semaphore(%arg11 : memref<!tpu.dma_semaphore, #tpu.memory_space<semaphore_mem>>)
    %dma_wait3A = arith.constant 0 : i32
    %dma_wait3A_16 = arith.constant 0 : i32
    %dma_wait3A_17 = tpu.memref_slice %arg5[%dma_wait3A, %dma_wait3A_16] : memref<200x128xi32, #tpu.memory_space<vmem>> -> memref<1x128xi32, #tpu.memory_space<vmem>>
    %dma_wait3A_18 = tpu.memref_squeeze %dma_wait3A_17 : memref<1x128xi32, #tpu.memory_space<vmem>> -> memref<128xi32, #tpu.memory_space<vmem>>
    %dma_wait3A_19 = arith.constant 0 : i32
    %dma_wait3A_20 = arith.constant 0 : i32
    %dma_wait3A_21 = tpu.memref_slice %arg3[%dma_wait3A_19, %dma_wait3A_20] : memref<100002x128xf32, #tpu.memory_space<hbm>> -> memref<100002x128xf32, #tpu.memory_space<hbm>>
    tpu.wait_indirect_dma semaphore(%arg10 : memref<!tpu.dma_semaphore, #tpu.memory_space<semaphore_mem>>) src(%dma_wait3A_21 : memref<100002x128xf32, #tpu.memory_space<hbm>>) dst(%arg6 : memref<128x128xf32, #tpu.memory_space<vmem>>)
    %add3A_22 = arith.constant 0 : i32
    %add3A_23 = arith.addi %mul3A_2, %add3A_22 : i32
    %dma_start3A_24 = arith.constant 0 : i32
    %dma_start3A_25 = tpu.memref_slice %arg4[%add3A_23, %dma_start3A_24] : memref<819200x128xf32, #tpu.memory_space<hbm>> -> memref<128x128xf32, #tpu.memory_space<hbm>>
    %dma_start3A_26 = arith.constant 0 : i32
    %dma_start3A_27 = tpu.memref_slice %arg4[%add3A_23, %dma_start3A_26] : memref<819200x128xf32, #tpu.memory_space<hbm>> -> memref<128x128xf32, #tpu.memory_space<hbm>>
    tpu.enqueue_dma source(%arg6 : memref<128x128xf32, #tpu.memory_space<vmem>>) target(%dma_start3A_27 : memref<128x128xf32, #tpu.memory_space<hbm>>) target_semaphore(%arg14 : memref<!tpu.dma_semaphore, #tpu.memory_space<semaphore_mem>>)
    %dma_start3A_28 = arith.constant 2 : i32
    %dma_start3A_29 = arith.constant 0 : i32
    %dma_start3A_30 = tpu.memref_slice %arg5[%dma_start3A_28, %dma_start3A_29] : memref<200x128xi32, #tpu.memory_space<vmem>> -> memref<1x128xi32, #tpu.memory_space<vmem>>
    %dma_start3A_31 = tpu.memref_squeeze %dma_start3A_30 : memref<1x128xi32, #tpu.memory_space<vmem>> -> memref<128xi32, #tpu.memory_space<vmem>>
    %dma_start3A_32 = arith.constant 0 : i32
    %dma_start3A_33 = arith.constant 0 : i32
    %dma_start3A_34 = tpu.memref_slice %arg3[%dma_start3A_32, %dma_start3A_33] : memref<100002x128xf32, #tpu.memory_space<hbm>> -> memref<100002x128xf32, #tpu.memory_space<hbm>>
    tpu.enqueue_indirect_dma source(%dma_start3A_34 : memref<100002x128xf32, #tpu.memory_space<hbm>>) target(%arg8 : memref<128x128xf32, #tpu.memory_space<vmem>>) offsets(%dma_start3A_31 : memref<128xi32, #tpu.memory_space<vmem>>) semaphore(%arg12 : memref<!tpu.dma_semaphore, #tpu.memory_space<semaphore_mem>>)
    %dma_wait3A_35 = arith.constant 0 : i32
    %dma_wait3A_36 = arith.constant 0 : i32
    %dma_wait3A_37 = tpu.memref_slice %arg5[%dma_wait3A_35, %dma_wait3A_36] : memref<200x128xi32, #tpu.memory_space<vmem>> -> memref<1x128xi32, #tpu.memory_space<vmem>>
    %dma_wait3A_38 = tpu.memref_squeeze %dma_wait3A_37 : memref<1x128xi32, #tpu.memory_space<vmem>> -> memref<128xi32, #tpu.memory_space<vmem>>
    %dma_wait3A_39 = arith.constant 0 : i32
    %dma_wait3A_40 = arith.constant 0 : i32
    %dma_wait3A_41 = tpu.memref_slice %arg3[%dma_wait3A_39, %dma_wait3A_40] : memref<100002x128xf32, #tpu.memory_space<hbm>> -> memref<100002x128xf32, #tpu.memory_space<hbm>>
    tpu.wait_indirect_dma semaphore(%arg11 : memref<!tpu.dma_semaphore, #tpu.memory_space<semaphore_mem>>) src(%dma_wait3A_41 : memref<100002x128xf32, #tpu.memory_space<hbm>>) dst(%arg7 : memref<128x128xf32, #tpu.memory_space<vmem>>)
    %add3A_42 = arith.constant 128 : i32
    %add3A_43 = arith.addi %mul3A_2, %add3A_42 : i32
    %dma_start3A_44 = arith.constant 0 : i32
    %dma_start3A_45 = tpu.memref_slice %arg4[%add3A_43, %dma_start3A_44] : memref<819200x128xf32, #tpu.memory_space<hbm>> -> memref<128x128xf32, #tpu.memory_space<hbm>>
    %dma_start3A_46 = arith.constant 0 : i32
    %dma_start3A_47 = tpu.memref_slice %arg4[%add3A_43, %dma_start3A_46] : memref<819200x128xf32, #tpu.memory_space<hbm>> -> memref<128x128xf32, #tpu.memory_space<hbm>>
    tpu.enqueue_dma source(%arg7 : memref<128x128xf32, #tpu.memory_space<vmem>>) target(%dma_start3A_47 : memref<128x128xf32, #tpu.memory_space<hbm>>) target_semaphore(%arg15 : memref<!tpu.dma_semaphore, #tpu.memory_space<semaphore_mem>>)
    %dma_start3A_48 = arith.constant 3 : i32
    %dma_start3A_49 = arith.constant 0 : i32
    %dma_start3A_50 = tpu.memref_slice %arg5[%dma_start3A_48, %dma_start3A_49] : memref<200x128xi32, #tpu.memory_space<vmem>> -> memref<1x128xi32, #tpu.memory_space<vmem>>
    %dma_start3A_51 = tpu.memref_squeeze %dma_start3A_50 : memref<1x128xi32, #tpu.memory_space<vmem>> -> memref<128xi32, #tpu.memory_space<vmem>>
    %dma_start3A_52 = arith.constant 0 : i32
    %dma_start3A_53 = arith.constant 0 : i32
    %dma_start3A_54 = tpu.memref_slice %arg3[%dma_start3A_52, %dma_start3A_53] : memref<100002x128xf32, #tpu.memory_space<hbm>> -> memref<100002x128xf32, #tpu.memory_space<hbm>>
    tpu.enqueue_indirect_dma source(%dma_start3A_54 : memref<100002x128xf32, #tpu.memory_space<hbm>>) target(%arg9 : memref<128x128xf32, #tpu.memory_space<vmem>>) offsets(%dma_start3A_51 : memref<128xi32, #tpu.memory_space<vmem>>) semaphore(%arg13 : memref<!tpu.dma_semaphore, #tpu.memory_space<semaphore_mem>>)
    %scan3A = arith.constant 0 : i32
    %scan3A_55 = arith.constant 0 : i32
    %scan3A_56 = arith.constant 49 : i32
    %scan3A_57 = arith.addi %scan3A_55, %scan3A_56 : i32
    %scan3A_58 = arith.constant 1 : i32
    scf.for %scan3A_102 = %scan3A_55 to %scan3A_57 step %scan3A_58  : i32 {
      %mul3A_103 = arith.constant 4 : i32
      %mul3A_104 = arith.muli %scan3A_102, %mul3A_103 : i32
      %add3A_105 = arith.constant 2 : i32
      %add3A_106 = arith.addi %mul3A_104, %add3A_105 : i32
      %add3A_107 = arith.constant 0 : i32
      %add3A_108 = arith.addi %add3A_106, %add3A_107 : i32
      %dma_wait3A_109 = arith.constant 0 : i32
      %dma_wait3A_110 = arith.constant 0 : i32
      %dma_wait3A_111 = tpu.memref_slice %arg5[%dma_wait3A_109, %dma_wait3A_110] : memref<200x128xi32, #tpu.memory_space<vmem>> -> memref<1x128xi32, #tpu.memory_space<vmem>>
      %dma_wait3A_112 = tpu.memref_squeeze %dma_wait3A_111 : memref<1x128xi32, #tpu.memory_space<vmem>> -> memref<128xi32, #tpu.memory_space<vmem>>
      %dma_wait3A_113 = arith.constant 0 : i32
      %dma_wait3A_114 = arith.constant 0 : i32
      %dma_wait3A_115 = tpu.memref_slice %arg3[%dma_wait3A_113, %dma_wait3A_114] : memref<100002x128xf32, #tpu.memory_space<hbm>> -> memref<100002x128xf32, #tpu.memory_space<hbm>>
      tpu.wait_indirect_dma semaphore(%arg12 : memref<!tpu.dma_semaphore, #tpu.memory_space<semaphore_mem>>) src(%dma_wait3A_115 : memref<100002x128xf32, #tpu.memory_space<hbm>>) dst(%arg8 : memref<128x128xf32, #tpu.memory_space<vmem>>)
      %mul3A_116 = arith.constant 128 : i32
      %mul3A_117 = arith.muli %add3A_108, %mul3A_116 : i32
      %add3A_118 = arith.addi %mul3A_2, %mul3A_117 : i32
      %dma_start3A_119 = arith.constant 0 : i32
      %dma_start3A_120 = tpu.memref_slice %arg4[%add3A_118, %dma_start3A_119] : memref<819200x128xf32, #tpu.memory_space<hbm>> -> memref<128x128xf32, #tpu.memory_space<hbm>>
      %dma_start3A_121 = arith.constant 0 : i32
      %dma_start3A_122 = tpu.memref_slice %arg4[%add3A_118, %dma_start3A_121] : memref<819200x128xf32, #tpu.memory_space<hbm>> -> memref<128x128xf32, #tpu.memory_space<hbm>>
      tpu.enqueue_dma source(%arg8 : memref<128x128xf32, #tpu.memory_space<vmem>>) target(%dma_start3A_122 : memref<128x128xf32, #tpu.memory_space<hbm>>) target_semaphore(%arg16 : memref<!tpu.dma_semaphore, #tpu.memory_space<semaphore_mem>>)
      %dma_wait3A_123 = arith.constant 0 : i32
      %dma_wait3A_124 = tpu.memref_slice %arg4[%mul3A_2, %dma_wait3A_123] : memref<819200x128xf32, #tpu.memory_space<hbm>> -> memref<128x128xf32, #tpu.memory_space<hbm>>
      %dma_wait3A_125 = arith.constant 0 : i32
      %dma_wait3A_126 = tpu.memref_slice %arg4[%mul3A_2, %dma_wait3A_125] : memref<819200x128xf32, #tpu.memory_space<hbm>> -> memref<128x128xf32, #tpu.memory_space<hbm>>
      tpu.wait_dma2 semaphore(%arg14 : memref<!tpu.dma_semaphore, #tpu.memory_space<semaphore_mem>>) src(%arg6 : memref<128x128xf32, #tpu.memory_space<vmem>>) dst(%dma_wait3A_126 : memref<128x128xf32, #tpu.memory_space<hbm>>)
      %add3A_127 = arith.constant 2 : i32
      %add3A_128 = arith.addi %add3A_108, %add3A_127 : i32
      %dma_start3A_129 = arith.constant 0 : i32
      %dma_start3A_130 = tpu.memref_slice %arg5[%add3A_128, %dma_start3A_129] : memref<200x128xi32, #tpu.memory_space<vmem>> -> memref<1x128xi32, #tpu.memory_space<vmem>>
      %dma_start3A_131 = tpu.memref_squeeze %dma_start3A_130 : memref<1x128xi32, #tpu.memory_space<vmem>> -> memref<128xi32, #tpu.memory_space<vmem>>
      %dma_start3A_132 = arith.constant 0 : i32
      %dma_start3A_133 = arith.constant 0 : i32
      %dma_start3A_134 = tpu.memref_slice %arg3[%dma_start3A_132, %dma_start3A_133] : memref<100002x128xf32, #tpu.memory_space<hbm>> -> memref<100002x128xf32, #tpu.memory_space<hbm>>
      tpu.enqueue_indirect_dma source(%dma_start3A_134 : memref<100002x128xf32, #tpu.memory_space<hbm>>) target(%arg6 : memref<128x128xf32, #tpu.memory_space<vmem>>) offsets(%dma_start3A_131 : memref<128xi32, #tpu.memory_space<vmem>>) semaphore(%arg10 : memref<!tpu.dma_semaphore, #tpu.memory_space<semaphore_mem>>)
      %mul3A_135 = arith.constant 4 : i32
      %mul3A_136 = arith.muli %scan3A_102, %mul3A_135 : i32
      %add3A_137 = arith.constant 2 : i32
      %add3A_138 = arith.addi %mul3A_136, %add3A_137 : i32
      %add3A_139 = arith.constant 1 : i32
      %add3A_140 = arith.addi %add3A_138, %add3A_139 : i32
      %dma_wait3A_141 = arith.constant 0 : i32
      %dma_wait3A_142 = arith.constant 0 : i32
      %dma_wait3A_143 = tpu.memref_slice %arg5[%dma_wait3A_141, %dma_wait3A_142] : memref<200x128xi32, #tpu.memory_space<vmem>> -> memref<1x128xi32, #tpu.memory_space<vmem>>
      %dma_wait3A_144 = tpu.memref_squeeze %dma_wait3A_143 : memref<1x128xi32, #tpu.memory_space<vmem>> -> memref<128xi32, #tpu.memory_space<vmem>>
      %dma_wait3A_145 = arith.constant 0 : i32
      %dma_wait3A_146 = arith.constant 0 : i32
      %dma_wait3A_147 = tpu.memref_slice %arg3[%dma_wait3A_145, %dma_wait3A_146] : memref<100002x128xf32, #tpu.memory_space<hbm>> -> memref<100002x128xf32, #tpu.memory_space<hbm>>
      tpu.wait_indirect_dma semaphore(%arg13 : memref<!tpu.dma_semaphore, #tpu.memory_space<semaphore_mem>>) src(%dma_wait3A_147 : memref<100002x128xf32, #tpu.memory_space<hbm>>) dst(%arg9 : memref<128x128xf32, #tpu.memory_space<vmem>>)
      %mul3A_148 = arith.constant 128 : i32
      %mul3A_149 = arith.muli %add3A_140, %mul3A_148 : i32
      %add3A_150 = arith.addi %mul3A_2, %mul3A_149 : i32
      %dma_start3A_151 = arith.constant 0 : i32
      %dma_start3A_152 = tpu.memref_slice %arg4[%add3A_150, %dma_start3A_151] : memref<819200x128xf32, #tpu.memory_space<hbm>> -> memref<128x128xf32, #tpu.memory_space<hbm>>
      %dma_start3A_153 = arith.constant 0 : i32
      %dma_start3A_154 = tpu.memref_slice %arg4[%add3A_150, %dma_start3A_153] : memref<819200x128xf32, #tpu.memory_space<hbm>> -> memref<128x128xf32, #tpu.memory_space<hbm>>
      tpu.enqueue_dma source(%arg9 : memref<128x128xf32, #tpu.memory_space<vmem>>) target(%dma_start3A_154 : memref<128x128xf32, #tpu.memory_space<hbm>>) target_semaphore(%arg17 : memref<!tpu.dma_semaphore, #tpu.memory_space<semaphore_mem>>)
      %dma_wait3A_155 = arith.constant 0 : i32
      %dma_wait3A_156 = tpu.memref_slice %arg4[%mul3A_2, %dma_wait3A_155] : memref<819200x128xf32, #tpu.memory_space<hbm>> -> memref<128x128xf32, #tpu.memory_space<hbm>>
      %dma_wait3A_157 = arith.constant 0 : i32
      %dma_wait3A_158 = tpu.memref_slice %arg4[%mul3A_2, %dma_wait3A_157] : memref<819200x128xf32, #tpu.memory_space<hbm>> -> memref<128x128xf32, #tpu.memory_space<hbm>>
      tpu.wait_dma2 semaphore(%arg15 : memref<!tpu.dma_semaphore, #tpu.memory_space<semaphore_mem>>) src(%arg7 : memref<128x128xf32, #tpu.memory_space<vmem>>) dst(%dma_wait3A_158 : memref<128x128xf32, #tpu.memory_space<hbm>>)
      %add3A_159 = arith.constant 2 : i32
      %add3A_160 = arith.addi %add3A_140, %add3A_159 : i32
      %dma_start3A_161 = arith.constant 0 : i32
      %dma_start3A_162 = tpu.memref_slice %arg5[%add3A_160, %dma_start3A_161] : memref<200x128xi32, #tpu.memory_space<vmem>> -> memref<1x128xi32, #tpu.memory_space<vmem>>
      %dma_start3A_163 = tpu.memref_squeeze %dma_start3A_162 : memref<1x128xi32, #tpu.memory_space<vmem>> -> memref<128xi32, #tpu.memory_space<vmem>>
      %dma_start3A_164 = arith.constant 0 : i32
      %dma_start3A_165 = arith.constant 0 : i32
      %dma_start3A_166 = tpu.memref_slice %arg3[%dma_start3A_164, %dma_start3A_165] : memref<100002x128xf32, #tpu.memory_space<hbm>> -> memref<100002x128xf32, #tpu.memory_space<hbm>>
      tpu.enqueue_indirect_dma source(%dma_start3A_166 : memref<100002x128xf32, #tpu.memory_space<hbm>>) target(%arg7 : memref<128x128xf32, #tpu.memory_space<vmem>>) offsets(%dma_start3A_163 : memref<128xi32, #tpu.memory_space<vmem>>) semaphore(%arg11 : memref<!tpu.dma_semaphore, #tpu.memory_space<semaphore_mem>>)
      %mul3A_167 = arith.constant 4 : i32
      %mul3A_168 = arith.muli %scan3A_102, %mul3A_167 : i32
      %add3A_169 = arith.constant 2 : i32
      %add3A_170 = arith.addi %mul3A_168, %add3A_169 : i32
      %add3A_171 = arith.constant 2 : i32
      %add3A_172 = arith.addi %add3A_170, %add3A_171 : i32
      %dma_wait3A_173 = arith.constant 0 : i32
      %dma_wait3A_174 = arith.constant 0 : i32
      %dma_wait3A_175 = tpu.memref_slice %arg5[%dma_wait3A_173, %dma_wait3A_174] : memref<200x128xi32, #tpu.memory_space<vmem>> -> memref<1x128xi32, #tpu.memory_space<vmem>>
      %dma_wait3A_176 = tpu.memref_squeeze %dma_wait3A_175 : memref<1x128xi32, #tpu.memory_space<vmem>> -> memref<128xi32, #tpu.memory_space<vmem>>
      %dma_wait3A_177 = arith.constant 0 : i32
      %dma_wait3A_178 = arith.constant 0 : i32
      %dma_wait3A_179 = tpu.memref_slice %arg3[%dma_wait3A_177, %dma_wait3A_178] : memref<100002x128xf32, #tpu.memory_space<hbm>> -> memref<100002x128xf32, #tpu.memory_space<hbm>>
      tpu.wait_indirect_dma semaphore(%arg10 : memref<!tpu.dma_semaphore, #tpu.memory_space<semaphore_mem>>) src(%dma_wait3A_179 : memref<100002x128xf32, #tpu.memory_space<hbm>>) dst(%arg6 : memref<128x128xf32, #tpu.memory_space<vmem>>)
      %mul3A_180 = arith.constant 128 : i32
      %mul3A_181 = arith.muli %add3A_172, %mul3A_180 : i32
      %add3A_182 = arith.addi %mul3A_2, %mul3A_181 : i32
      %dma_start3A_183 = arith.constant 0 : i32
      %dma_start3A_184 = tpu.memref_slice %arg4[%add3A_182, %dma_start3A_183] : memref<819200x128xf32, #tpu.memory_space<hbm>> -> memref<128x128xf32, #tpu.memory_space<hbm>>
      %dma_start3A_185 = arith.constant 0 : i32
      %dma_start3A_186 = tpu.memref_slice %arg4[%add3A_182, %dma_start3A_185] : memref<819200x128xf32, #tpu.memory_space<hbm>> -> memref<128x128xf32, #tpu.memory_space<hbm>>
      tpu.enqueue_dma source(%arg6 : memref<128x128xf32, #tpu.memory_space<vmem>>) target(%dma_start3A_186 : memref<128x128xf32, #tpu.memory_space<hbm>>) target_semaphore(%arg14 : memref<!tpu.dma_semaphore, #tpu.memory_space<semaphore_mem>>)
      %dma_wait3A_187 = arith.constant 0 : i32
      %dma_wait3A_188 = tpu.memref_slice %arg4[%mul3A_2, %dma_wait3A_187] : memref<819200x128xf32, #tpu.memory_space<hbm>> -> memref<128x128xf32, #tpu.memory_space<hbm>>
      %dma_wait3A_189 = arith.constant 0 : i32
      %dma_wait3A_190 = tpu.memref_slice %arg4[%mul3A_2, %dma_wait3A_189] : memref<819200x128xf32, #tpu.memory_space<hbm>> -> memref<128x128xf32, #tpu.memory_space<hbm>>
      tpu.wait_dma2 semaphore(%arg16 : memref<!tpu.dma_semaphore, #tpu.memory_space<semaphore_mem>>) src(%arg8 : memref<128x128xf32, #tpu.memory_space<vmem>>) dst(%dma_wait3A_190 : memref<128x128xf32, #tpu.memory_space<hbm>>)
      %add3A_191 = arith.constant 2 : i32
      %add3A_192 = arith.addi %add3A_172, %add3A_191 : i32
      %dma_start3A_193 = arith.constant 0 : i32
      %dma_start3A_194 = tpu.memref_slice %arg5[%add3A_192, %dma_start3A_193] : memref<200x128xi32, #tpu.memory_space<vmem>> -> memref<1x128xi32, #tpu.memory_space<vmem>>
      %dma_start3A_195 = tpu.memref_squeeze %dma_start3A_194 : memref<1x128xi32, #tpu.memory_space<vmem>> -> memref<128xi32, #tpu.memory_space<vmem>>
      %dma_start3A_196 = arith.constant 0 : i32
      %dma_start3A_197 = arith.constant 0 : i32
      %dma_start3A_198 = tpu.memref_slice %arg3[%dma_start3A_196, %dma_start3A_197] : memref<100002x128xf32, #tpu.memory_space<hbm>> -> memref<100002x128xf32, #tpu.memory_space<hbm>>
      tpu.enqueue_indirect_dma source(%dma_start3A_198 : memref<100002x128xf32, #tpu.memory_space<hbm>>) target(%arg8 : memref<128x128xf32, #tpu.memory_space<vmem>>) offsets(%dma_start3A_195 : memref<128xi32, #tpu.memory_space<vmem>>) semaphore(%arg12 : memref<!tpu.dma_semaphore, #tpu.memory_space<semaphore_mem>>)
      %mul3A_199 = arith.constant 4 : i32
      %mul3A_200 = arith.muli %scan3A_102, %mul3A_199 : i32
      %add3A_201 = arith.constant 2 : i32
      %add3A_202 = arith.addi %mul3A_200, %add3A_201 : i32
      %add3A_203 = arith.constant 3 : i32
      %add3A_204 = arith.addi %add3A_202, %add3A_203 : i32
      %dma_wait3A_205 = arith.constant 0 : i32
      %dma_wait3A_206 = arith.constant 0 : i32
      %dma_wait3A_207 = tpu.memref_slice %arg5[%dma_wait3A_205, %dma_wait3A_206] : memref<200x128xi32, #tpu.memory_space<vmem>> -> memref<1x128xi32, #tpu.memory_space<vmem>>
      %dma_wait3A_208 = tpu.memref_squeeze %dma_wait3A_207 : memref<1x128xi32, #tpu.memory_space<vmem>> -> memref<128xi32, #tpu.memory_space<vmem>>
      %dma_wait3A_209 = arith.constant 0 : i32
      %dma_wait3A_210 = arith.constant 0 : i32
      %dma_wait3A_211 = tpu.memref_slice %arg3[%dma_wait3A_209, %dma_wait3A_210] : memref<100002x128xf32, #tpu.memory_space<hbm>> -> memref<100002x128xf32, #tpu.memory_space<hbm>>
      tpu.wait_indirect_dma semaphore(%arg11 : memref<!tpu.dma_semaphore, #tpu.memory_space<semaphore_mem>>) src(%dma_wait3A_211 : memref<100002x128xf32, #tpu.memory_space<hbm>>) dst(%arg7 : memref<128x128xf32, #tpu.memory_space<vmem>>)
      %mul3A_212 = arith.constant 128 : i32
      %mul3A_213 = arith.muli %add3A_204, %mul3A_212 : i32
      %add3A_214 = arith.addi %mul3A_2, %mul3A_213 : i32
      %dma_start3A_215 = arith.constant 0 : i32
      %dma_start3A_216 = tpu.memref_slice %arg4[%add3A_214, %dma_start3A_215] : memref<819200x128xf32, #tpu.memory_space<hbm>> -> memref<128x128xf32, #tpu.memory_space<hbm>>
      %dma_start3A_217 = arith.constant 0 : i32
      %dma_start3A_218 = tpu.memref_slice %arg4[%add3A_214, %dma_start3A_217] : memref<819200x128xf32, #tpu.memory_space<hbm>> -> memref<128x128xf32, #tpu.memory_space<hbm>>
      tpu.enqueue_dma source(%arg7 : memref<128x128xf32, #tpu.memory_space<vmem>>) target(%dma_start3A_218 : memref<128x128xf32, #tpu.memory_space<hbm>>) target_semaphore(%arg15 : memref<!tpu.dma_semaphore, #tpu.memory_space<semaphore_mem>>)
      %dma_wait3A_219 = arith.constant 0 : i32
      %dma_wait3A_220 = tpu.memref_slice %arg4[%mul3A_2, %dma_wait3A_219] : memref<819200x128xf32, #tpu.memory_space<hbm>> -> memref<128x128xf32, #tpu.memory_space<hbm>>
      %dma_wait3A_221 = arith.constant 0 : i32
      %dma_wait3A_222 = tpu.memref_slice %arg4[%mul3A_2, %dma_wait3A_221] : memref<819200x128xf32, #tpu.memory_space<hbm>> -> memref<128x128xf32, #tpu.memory_space<hbm>>
      tpu.wait_dma2 semaphore(%arg17 : memref<!tpu.dma_semaphore, #tpu.memory_space<semaphore_mem>>) src(%arg9 : memref<128x128xf32, #tpu.memory_space<vmem>>) dst(%dma_wait3A_222 : memref<128x128xf32, #tpu.memory_space<hbm>>)
      %add3A_223 = arith.constant 2 : i32
      %add3A_224 = arith.addi %add3A_204, %add3A_223 : i32
      %dma_start3A_225 = arith.constant 0 : i32
      %dma_start3A_226 = tpu.memref_slice %arg5[%add3A_224, %dma_start3A_225] : memref<200x128xi32, #tpu.memory_space<vmem>> -> memref<1x128xi32, #tpu.memory_space<vmem>>
      %dma_start3A_227 = tpu.memref_squeeze %dma_start3A_226 : memref<1x128xi32, #tpu.memory_space<vmem>> -> memref<128xi32, #tpu.memory_space<vmem>>
      %dma_start3A_228 = arith.constant 0 : i32
      %dma_start3A_229 = arith.constant 0 : i32
      %dma_start3A_230 = tpu.memref_slice %arg3[%dma_start3A_228, %dma_start3A_229] : memref<100002x128xf32, #tpu.memory_space<hbm>> -> memref<100002x128xf32, #tpu.memory_space<hbm>>
      tpu.enqueue_indirect_dma source(%dma_start3A_230 : memref<100002x128xf32, #tpu.memory_space<hbm>>) target(%arg9 : memref<128x128xf32, #tpu.memory_space<vmem>>) offsets(%dma_start3A_227 : memref<128xi32, #tpu.memory_space<vmem>>) semaphore(%arg13 : memref<!tpu.dma_semaphore, #tpu.memory_space<semaphore_mem>>)
    }
    %scan3A_59 = arith.constant 49 : i32
    %dma_wait3A_60 = arith.constant 0 : i32
    %dma_wait3A_61 = arith.constant 0 : i32
    %dma_wait3A_62 = tpu.memref_slice %arg5[%dma_wait3A_60, %dma_wait3A_61] : memref<200x128xi32, #tpu.memory_space<vmem>> -> memref<1x128xi32, #tpu.memory_space<vmem>>
    %dma_wait3A_63 = tpu.memref_squeeze %dma_wait3A_62 : memref<1x128xi32, #tpu.memory_space<vmem>> -> memref<128xi32, #tpu.memory_space<vmem>>
    %dma_wait3A_64 = arith.constant 0 : i32
    %dma_wait3A_65 = arith.constant 0 : i32
    %dma_wait3A_66 = tpu.memref_slice %arg3[%dma_wait3A_64, %dma_wait3A_65] : memref<100002x128xf32, #tpu.memory_space<hbm>> -> memref<100002x128xf32, #tpu.memory_space<hbm>>
    tpu.wait_indirect_dma semaphore(%arg12 : memref<!tpu.dma_semaphore, #tpu.memory_space<semaphore_mem>>) src(%dma_wait3A_66 : memref<100002x128xf32, #tpu.memory_space<hbm>>) dst(%arg8 : memref<128x128xf32, #tpu.memory_space<vmem>>)
    %add3A_67 = arith.constant 25344 : i32
    %add3A_68 = arith.addi %mul3A_2, %add3A_67 : i32
    %dma_start3A_69 = arith.constant 0 : i32
    %dma_start3A_70 = tpu.memref_slice %arg4[%add3A_68, %dma_start3A_69] : memref<819200x128xf32, #tpu.memory_space<hbm>> -> memref<128x128xf32, #tpu.memory_space<hbm>>
    %dma_start3A_71 = arith.constant 0 : i32
    %dma_start3A_72 = tpu.memref_slice %arg4[%add3A_68, %dma_start3A_71] : memref<819200x128xf32, #tpu.memory_space<hbm>> -> memref<128x128xf32, #tpu.memory_space<hbm>>
    tpu.enqueue_dma source(%arg8 : memref<128x128xf32, #tpu.memory_space<vmem>>) target(%dma_start3A_72 : memref<128x128xf32, #tpu.memory_space<hbm>>) target_semaphore(%arg16 : memref<!tpu.dma_semaphore, #tpu.memory_space<semaphore_mem>>)
    %dma_wait3A_73 = arith.constant 0 : i32
    %dma_wait3A_74 = arith.constant 0 : i32
    %dma_wait3A_75 = tpu.memref_slice %arg5[%dma_wait3A_73, %dma_wait3A_74] : memref<200x128xi32, #tpu.memory_space<vmem>> -> memref<1x128xi32, #tpu.memory_space<vmem>>
    %dma_wait3A_76 = tpu.memref_squeeze %dma_wait3A_75 : memref<1x128xi32, #tpu.memory_space<vmem>> -> memref<128xi32, #tpu.memory_space<vmem>>
    %dma_wait3A_77 = arith.constant 0 : i32
    %dma_wait3A_78 = arith.constant 0 : i32
    %dma_wait3A_79 = tpu.memref_slice %arg3[%dma_wait3A_77, %dma_wait3A_78] : memref<100002x128xf32, #tpu.memory_space<hbm>> -> memref<100002x128xf32, #tpu.memory_space<hbm>>
    tpu.wait_indirect_dma semaphore(%arg13 : memref<!tpu.dma_semaphore, #tpu.memory_space<semaphore_mem>>) src(%dma_wait3A_79 : memref<100002x128xf32, #tpu.memory_space<hbm>>) dst(%arg9 : memref<128x128xf32, #tpu.memory_space<vmem>>)
    %add3A_80 = arith.constant 25472 : i32
    %add3A_81 = arith.addi %mul3A_2, %add3A_80 : i32
    %dma_start3A_82 = arith.constant 0 : i32
    %dma_start3A_83 = tpu.memref_slice %arg4[%add3A_81, %dma_start3A_82] : memref<819200x128xf32, #tpu.memory_space<hbm>> -> memref<128x128xf32, #tpu.memory_space<hbm>>
    %dma_start3A_84 = arith.constant 0 : i32
    %dma_start3A_85 = tpu.memref_slice %arg4[%add3A_81, %dma_start3A_84] : memref<819200x128xf32, #tpu.memory_space<hbm>> -> memref<128x128xf32, #tpu.memory_space<hbm>>
    tpu.enqueue_dma source(%arg9 : memref<128x128xf32, #tpu.memory_space<vmem>>) target(%dma_start3A_85 : memref<128x128xf32, #tpu.memory_space<hbm>>) target_semaphore(%arg17 : memref<!tpu.dma_semaphore, #tpu.memory_space<semaphore_mem>>)
    %dma_wait3A_86 = arith.constant 0 : i32
    %dma_wait3A_87 = tpu.memref_slice %arg4[%mul3A_2, %dma_wait3A_86] : memref<819200x128xf32, #tpu.memory_space<hbm>> -> memref<128x128xf32, #tpu.memory_space<hbm>>
    %dma_wait3A_88 = arith.constant 0 : i32
    %dma_wait3A_89 = tpu.memref_slice %arg4[%mul3A_2, %dma_wait3A_88] : memref<819200x128xf32, #tpu.memory_space<hbm>> -> memref<128x128xf32, #tpu.memory_space<hbm>>
    tpu.wait_dma2 semaphore(%arg14 : memref<!tpu.dma_semaphore, #tpu.memory_space<semaphore_mem>>) src(%arg6 : memref<128x128xf32, #tpu.memory_space<vmem>>) dst(%dma_wait3A_89 : memref<128x128xf32, #tpu.memory_space<hbm>>)
    %dma_wait3A_90 = arith.constant 0 : i32
    %dma_wait3A_91 = tpu.memref_slice %arg4[%mul3A_2, %dma_wait3A_90] : memref<819200x128xf32, #tpu.memory_space<hbm>> -> memref<128x128xf32, #tpu.memory_space<hbm>>
    %dma_wait3A_92 = arith.constant 0 : i32
    %dma_wait3A_93 = tpu.memref_slice %arg4[%mul3A_2, %dma_wait3A_92] : memref<819200x128xf32, #tpu.memory_space<hbm>> -> memref<128x128xf32, #tpu.memory_space<hbm>>
    tpu.wait_dma2 semaphore(%arg15 : memref<!tpu.dma_semaphore, #tpu.memory_space<semaphore_mem>>) src(%arg7 : memref<128x128xf32, #tpu.memory_space<vmem>>) dst(%dma_wait3A_93 : memref<128x128xf32, #tpu.memory_space<hbm>>)
    %dma_wait3A_94 = arith.constant 0 : i32
    %dma_wait3A_95 = tpu.memref_slice %arg4[%mul3A_2, %dma_wait3A_94] : memref<819200x128xf32, #tpu.memory_space<hbm>> -> memref<128x128xf32, #tpu.memory_space<hbm>>
    %dma_wait3A_96 = arith.constant 0 : i32
    %dma_wait3A_97 = tpu.memref_slice %arg4[%mul3A_2, %dma_wait3A_96] : memref<819200x128xf32, #tpu.memory_space<hbm>> -> memref<128x128xf32, #tpu.memory_space<hbm>>
    tpu.wait_dma2 semaphore(%arg16 : memref<!tpu.dma_semaphore, #tpu.memory_space<semaphore_mem>>) src(%arg8 : memref<128x128xf32, #tpu.memory_space<vmem>>) dst(%dma_wait3A_97 : memref<128x128xf32, #tpu.memory_space<hbm>>)
    %dma_wait3A_98 = arith.constant 0 : i32
    %dma_wait3A_99 = tpu.memref_slice %arg4[%mul3A_2, %dma_wait3A_98] : memref<819200x128xf32, #tpu.memory_space<hbm>> -> memref<128x128xf32, #tpu.memory_space<hbm>>
    %dma_wait3A_100 = arith.constant 0 : i32
    %dma_wait3A_101 = tpu.memref_slice %arg4[%mul3A_2, %dma_wait3A_100] : memref<819200x128xf32, #tpu.memory_space<hbm>> -> memref<128x128xf32, #tpu.memory_space<hbm>>
    tpu.wait_dma2 semaphore(%arg17 : memref<!tpu.dma_semaphore, #tpu.memory_space<semaphore_mem>>) src(%arg9 : memref<128x128xf32, #tpu.memory_space<vmem>>) dst(%dma_wait3A_101 : memref<128x128xf32, #tpu.memory_space<hbm>>)
    return
  }
}

</mosaic_0001>

<sc_bundles>
// kernel: kernel.3.cloned.1.call-start
scs
__scs_entry_jumppad:
0x0: {  	(pc) =	sbr.rel $0x88, $3  }
0x1: {  	(tag) =	ssettag $0x0;
	lr =	simm.s32 $0x1  }
0x2: {  	[smem:$0x3F9F] =	sst lr;
	_ =	strace $0xD0000000  }
0x3: {  	_ = 	snop  }
0x4: {  	_ = 	snop  }
0x5: {  	_ = 	snop  }
0x6: {  	_ = 	snop  }
0x7: {  	_ = 	snop  }
__scs_overlays_trampoline_lowered:
0x8: {  	[smem:$0x3FAE] =	sst s0  }
0x9: {  	[smem:$0x3FAF] =	sst s1  }
0xa: {  	[smem:$0x3FB0] =	sst s2  }
0xb: {  	[smem:$0x3FB1] =	sst s3  }
0xc: {  	[smem:$0x3FB2] =	sst s4  }
0xd: {  	[smem:$0x3FB3] =	sst s5  }
0xe: {  	[smem:$0x3FB4] =	sst s6  }
0xf: {  	[smem:$0x3FB5] =	sst s7  }
0x10: {  	[smem:$0x3FB6] =	sst s8  }
0x11: {  	[smem:$0x3FB7] =	sst s9;
	s0 =	simm.s32 @!p0 $0x0  }
0x12: {  	s1 =	sld [smem:$0x3F9D];
	s0 =	simm.s32 @p0 $0x1  }
0x13: {  	[smem:$0x3FB8] =	sst s0;
	s0 =	simm.s32 @!p1 $0x0  }
0x14: {  	s2 =	sld [smem:$0x3F9C];
	s0 =	simm.s32 @p1 $0x1  }
0x15: {  	[smem:$0x3FB9] =	sst s0;
	s0 =	simm.s32 @!p2 $0x0  }
0x16: {  	s3 =	sld [smem:$0x3FDB];
	s0 =	simm.s32 @p2 $0x1  }
0x17: {  	s4 =	simm.s32 $0x1BF5;
	[smem:$0x3FBB] =	sst s0  }
0x18: {  	s0 =	sld [smem:$0x3F9E];
	_ =	swait.ge [sflag:s4], $0x0  }
0x19: {  	s7 =	sld [smem:$0x3F9F]  }
0x1a: {  	s8 =	sadd.s32 $0xFFFFE003, lr  }
0x1b: {  	s9 =	sadd.s32 $0xFFFFFEF7, lr;
	s5 =	simm.s32 $0xFFFFFFFF;
	p2 =	slt.u32 s8, $0xFFFFF086  }
0x1c: {  	p1 =	slt.u32 s9, $0xF7A;
	s5 =	simm.s32 @!p2 $0x0  }
0x1d: {  	s5 =	simm.s32 @p1 $0x1;
	p0 =	seq.s32 s7, s2  }
0x1e: {  	s7 =	smul.u32 @!p0 $0xF7A, s2;
	p2 =	seq.s32 @!p0 s5, $0x0  }
0x1f: {  	s9 =	smul.u32 $0xF7A, s1;
	s8 =	simm.s32 @!p0 $0x1BF5;
	p2 =	por !p2, p0  }
0x20: {  	[sflag:s8] =	ssyncset.s32 @!p0 $0xFFFFF086;
	s6 =	sadd.s32 @!p0 s3, s7;
	s7 =	simm.s32 @!p0 $0x108  }
0x21: {  	s3 =	sadd.s32 s3, s9;
	s6 =	sadd.s32 @!p0 $0x88, s6;
	s7 =	simm.s32 @p2 $0x1082  }
0x22: {  	[simem:s7], [sflag:s8] =	dma.local @!p0 [hbm:s6], $0xF7A  }
0x23: {  	s9 =	sor.u32 $0xD0000000, s2;
	s6 =	simm.s32 $0x108;
	_ =	swait.ge @!p0 [sflag:s8], $0x0  }
0x24: {  	s3 =	sadd.s32 $0x88, s3;
	s6 =	simm.s32 @!p1 $0x1082;
	[sflag:s4] =	ssyncset.s32 $0xFFFFF086  }
0x25: {  	[simem:s6], [sflag:s4] =	dma.local [hbm:s3], $0xF7A  }
0x26: {  	[smem:$0x3F9F] =	sst s1;
	(tag) =	ssettag s2;
	_ =	strace s9  }
0x27: {  	s1 =	sld [smem:$0x3FAF]  }
0x28: {  	s2 =	sld [smem:$0x3FB0]  }
0x29: {  	s4 =	sld [smem:$0x3FB2]  }
0x2a: {  	p0 =	seq.s32 s5, $0x0;
	s5 =	sld [smem:$0x3FB3]  }
0x2b: {  	s6 =	sld [smem:$0x3FB4]  }
0x2c: {  	s7 =	sld [smem:$0x3FB5]  }
0x2d: {  	s3 =	simm.s32 $0x108;
	s8 =	sld [smem:$0x3FB6]  }
0x2e: {  	s3 =	simm.s32 @!p0 $0x1082;
	s9 =	sld [smem:$0x3FB7]  }
0x2f: {  	lr =	sadd.s32 s0, s3;
	s0 =	sld [smem:$0x3FAE]  }
0x30: {  	s3 =	sld [smem:$0x3FB1]  }
0x31: {  	[smem:$0x3FBA] =	sst s10  }
0x32: {  	s10 =	sld [smem:$0x3FB8];
	_ =	sdelay $0x3  }
0x33: {  	p0 =	seq.s32 s10, $0x1;
	s10 =	sld [smem:$0x3FBA];
	_ =	sdelay $0x3  }
0x34: {  	[smem:$0x3FBA] =	sst s10  }
0x35: {  	s10 =	sld [smem:$0x3FB9];
	_ =	sdelay $0x3  }
0x36: {  	p1 =	seq.s32 s10, $0x1;
	s10 =	sld [smem:$0x3FBA];
	_ =	sdelay $0x3  }
0x37: {  	[smem:$0x3FBA] =	sst s10  }
0x38: {  	s10 =	sld [smem:$0x3FBB]  }
0x39: {  	_ = 	snop;
	(pc) =	sbr.ind lr, $3  }
0x3a: {  	_ = 	snop  }
0x3b: {  	_ = 	snop  }
0x3c: {  	p2 =	seq.s32 s10, $0x1;
	s10 =	sld [smem:$0x3FBA]  }
0x3d: {  	_ =	shalt  }
0x3e: {  	_ =	shalt  }
0x3f: {  	_ =	shalt  }
0x40: {  	_ =	shalt  }
0x41: {  	_ =	shalt  }
0x42: {  	_ =	shalt  }
0x43: {  	_ =	shalt  }
0x44: {  	_ =	shalt  }
0x45: {  	_ =	shalt  }
0x46: {  	_ =	shalt  }
0x47: {  	_ =	shalt  }
0x48: {  	_ =	shalt  }
0x49: {  	_ =	shalt  }
0x4a: {  	_ =	shalt  }
0x4b: {  	_ =	shalt  }
0x4c: {  	_ =	shalt  }
0x4d: {  	_ =	shalt  }
0x4e: {  	_ =	shalt  }
0x4f: {  	_ =	shalt  }
0x50: {  	_ =	shalt  }
0x51: {  	_ =	shalt  }
0x52: {  	_ =	shalt  }
0x53: {  	_ =	shalt  }
0x54: {  	_ =	shalt  }
0x55: {  	_ =	shalt  }
0x56: {  	_ =	shalt  }
0x57: {  	_ =	shalt  }
0x58: {  	_ =	shalt  }
0x59: {  	_ =	shalt  }
0x5a: {  	_ =	shalt  }
0x5b: {  	_ =	shalt  }
0x5c: {  	_ =	shalt  }
0x5d: {  	_ =	shalt  }
0x5e: {  	_ =	shalt  }
0x5f: {  	_ =	shalt  }
0x60: {  	_ =	shalt  }
0x61: {  	_ =	shalt  }
0x62: {  	_ =	shalt  }
0x63: {  	_ =	shalt  }
0x64: {  	_ =	shalt  }
0x65: {  	_ =	shalt  }
0x66: {  	_ =	shalt  }
0x67: {  	_ =	shalt  }
0x68: {  	_ =	shalt  }
0x69: {  	_ =	shalt  }
0x6a: {  	_ =	shalt  }
0x6b: {  	_ =	shalt  }
0x6c: {  	_ =	shalt  }
0x6d: {  	_ =	shalt  }
0x6e: {  	_ =	shalt  }
0x6f: {  	_ =	shalt  }
0x70: {  	_ =	shalt  }
0x71: {  	_ =	shalt  }
0x72: {  	_ =	shalt  }
0x73: {  	_ =	shalt  }
0x74: {  	_ =	shalt  }
0x75: {  	_ =	shalt  }
0x76: {  	_ =	shalt  }
0x77: {  	_ =	shalt  }
0x78: {  	_ =	shalt  }
0x79: {  	_ =	shalt  }
0x7a: {  	_ =	shalt  }
0x7b: {  	_ =	shalt  }
0x7c: {  	_ =	shalt  }
0x7d: {  	_ =	shalt  }
0x7e: {  	_ =	shalt  }
0x7f: {  	_ =	shalt  }
0x80: {  	_ =	shalt  }
0x81: {  	_ =	shalt  }
0x82: {  	_ =	shalt  }
0x83: {  	_ =	shalt  }
0x84: {  	_ =	shalt  }
0x85: {  	_ =	shalt  }
0x86: {  	_ =	shalt  }
0x87: {  	_ =	shalt  }
.Lfunc_end0:
.L_simem_size_0:
called_computation_lowered:
.L_overlay_start_0:
0x88: {  	s2 =	sld [smem:$0x3FD9]  }
0x89: {  	s3 =	sld [smem:$0x3FFE];
	_ =	sdelay $0x1  }
0x8a: {  	s1 =	srdreg.scid  }
0x8b: {  	s0 =	sand.u32 $0x1, s1  }
0x8c: {  	s17 =	sshll.u32 s0, $0xA;
	s2 =	sadd.s32 s3, s2  }
0x8d: {  	s2 =	sadd.s32 s2, s17  }
0x8e: {  	[smem:$0x3FC6] =	sst s2  }
0x8f: {  	_ = 	snop  }
0x90: {  	s2 =	sld [smem:$0x3FC8]  }
0x91: {  	s18 =	sld [smem:$0x3FD0];
	(tm) =	ssettm $0x1  }
0x92: {  	s4 =	sld [smem:$0x3FFB];
	_ =	sdelay $0x3  }
0x93: {  	_ =	strace s4  }
0x94: {  	s4 =	sld [smem:$0x3FFC];
	_ =	sdelay $0x3  }
0x95: {  	_ =	strace s4  }
0x96: {  	s4 =	sld [smem:$0x3FFD];
	_ =	sdelay $0x3  }
0x97: {  	_ =	strace s4  }
0x98: {  	_ =	strace $0x8FFFFFFF  }
0x99: {  	s19 =	sld [smem:$0x3FDB];
	_ =	sdelay $0x1  }
0x9a: {  	s5 =	simm.s32 $_scs_section_size  }
0x9b: {  	s6 =	simm.s32 $_size__tile_overlayer_lowered;
	s7 =	simm.s32 $_tile_overlayer_lowered  }
0x9c: {  	s22 =	simm.s32 $0x1BFF;
	s21 =	sshll.u32 s7, $0x1;
	s4 =	sadd.s32 s5, s19  }
0x9d: {  	s8 =	simm.s32 $0x0;
	s20 =	sshll.u32 s6, $0x1;
	s6 =	sadd.s32 s21, s4  }
0x9e: {  	[timem:s8], [sflag:s22] =	dma.local [hbm:s6], s20  }
0x9f: {  	_ =	swait.ge [sflag:s22], s20  }
0xa0: {  	s5 =	ssub.s32 $0x0, s20;
	[sflag:s22] =	ssyncset.done $0x0  }
0xa1: {  	[sflag:s22] =	ssyncadd.s32 s5;
	_ =	sdelay $0x1  }
0xa2: {  	s23 =	simm.s32 $0x1B8B  }
0xa3: {  	_ =	swait.ge [sflag:s23], $0x1  }
0xa4: {  	[sflag:s23] =	ssyncset.done $0x0  }
0xa5: {  	s25 =	simm.s32 $0x1B8E;
	s24 =	sld [smem:$0x3FFE];
	[sflag:s23] =	ssyncadd.s32 $0xFFFFFFFF  }
0xa6: {  	s26 =	simm.s32 $execute0_lowered;
	[smem:$0x3FD2] =	sst s25  }
0xa7: {  	s6 =	sshll.u32 s26, $0x1;
	_ =	strace $0x80000046;
	[dreg:$0x1] =	wrdreg $0xFFFFFFFF  }
0xa8: {  	s28 =	simm.s32 $_size_execute0_lowered;
	s4 =	sadd.s32 s4, s6;
	[dreg:$0x0] =	wrdreg $0x0  }
0xa9: {  	s6 =	sshll.u32 s28, $0x1;
	[dreg:$0x2] =	wrdreg s4  }
0xaa: {  	[dreg:$0x3] =	wrdreg s6  }
0xab: {  	[dreg:$0x4] =	wrdreg $0xC0  }
0xac: {  	_ =	task [dreg:s8], $0x5FFFF  }
0xad: {  	[dreg:$0x1] =	wrdreg $0xFFFFFFFF  }
0xae: {  	[dreg:$0x0] =	wrdreg $0x60  }
0xaf: {  	[dreg:$0x2] =	wrdreg s24  }
0xb0: {  	[dreg:$0x3] =	wrdreg s2  }
0xb1: {  	[dreg:$0x4] =	wrdreg s18  }
0xb2: {  	[dreg:$0x5] =	wrdreg $0x9  }
0xb3: {  	_ =	task.clear_ibuf [dreg:s8], $0x6FFFF;
	_ =	strace $0x90000046  }
0xb4: {  	s29 =	simm.s32 $0x9;
	_ =	strace $0x80000048  }
0xb5: {  	_ =	swait.ge [sflag:s29], $0x1  }
0xb6: {  	[sflag:s29] =	ssyncadd.s32 $0xFFFFFFFF  }
0xb7: {  	_ =	strace $0x90000048  }
0xb8: {  	_ =	sfence  }
0xb9: {  	s30 =	sld [smem:$0x0];
	_ =	sdelay $0x2  }
0xba: {  	s31 =	sshll.u32 s1, $0xD;
	s1 =	sshrl.u32 s1, $0x2  }
0xbb: {  	s3 =	sand.u32 $0x4000, s31;
	s1 =	sadd.s32 s1, s30  }
0xbc: {  	s0 =	sor.u32 s3, s0;
	s1 =	sshll.u32 s1, $0x11  }
0xbd: {  	s0 =	sor.u32 s1, s0  }
0xbe: {  	s0 =	sadd.s32 $0x8F2B, s0  }
0xbf: {  	[sflag:s0] =	ssyncadd.remote.s32 $0x1  }
0xc0: {  	_ =	sfence.sel $0xFFFF  }
0xc1: {  	[dreg:$0x0] =	wrdreg $0xFFFFFFFF;
	(pc) =	sbr.abs _section_cstart, $3  }
0xc2: {  	[dreg:$0x1] =	wrdreg $0xFFFFFFFF  }
0xc3: {  	_ =	task.clear_ibuf [dreg:s8], $0x2FFFF;
	_ =	strace $0x9FFFFFFF  }
0xc4: {  	(tm) =	ssettm $0x7FFFFFFF  }
0xc5: {  	_ =	shalt  }
tec
execute0_lowered:
.L_overlay_start_1:
0x0: {  	(tag) =	ssettag $0x1  }
0x1: {  	s4 =	rddreg [dreg:$0x0]  }
0x2: {  	s2 =	rddreg [dreg:$0x1]  }
0x3: {  	s1 =	srdreg.scid;
	s0 =	stileid.u32  }
0x4: {  	s8 =	rddreg [dreg:$0x2];
	s3 =	simm.s32 $0x0;
	s13 =	simm.s32 $0x6400  }
0x5: {  	s14 =	simm.s32 $0xA400;
	s15 =	simm.s32 $0x1;
	s16 =	simm.s32 $0x100  }
0x6: {  	s17 =	simm.s32 $0xE400;
	s18 =	simm.s32 $0x2;
	s19 =	simm.s32 $0x180  }
0x7: {  	s20 =	simm.s32 $0x12400;
	s21 =	simm.s32 $0x3;
	s22 =	simm.s32 $0x5  }
0x8: {  	s23 =	simm.s32 $0x4;
	s24 =	simm.s32 $0x6;
	s25 =	simm.s32 $0x7  }
0x9: {  	s6 =	sand.u32 $0x1, s1;
	s5 =	sshll.u32 s0, $0x1;
	s31 =	smul.u32 $0xC8000, s0  }
0xa: {  	s26 =	simm.s32 $0x8;
	s5 =	sor.u32 s6, s5;
	s12 =	smul.u32 $0x64000, s6  }
0xb: {  	s28 =	simm.s32 $0x0;
	s9 =	ssub.s32 $0x2, s6;
	s7 =	smul.u32 $0x6400, s5  }
0xc: {  	[smem:$0x7FF] =	sst s3;
	s10 =	sshrl.u32 s9, $0x1;
	s11 =	smul.u32 $0x320000, s5  }
0xd: {  	_ =	strace $0x80000047;
	s5 =	smul.u32 $0x64000, s5;
	s9 =	ssub.s32 s9, s10  }
0xe: {  	s10 =	sadd.s32 s31, s8;
	s7 =	sshrl.u32 s7, $0x3;
	s30 =	sshrl.u32 s11, $0x3  }
0xf: {  	s5 =	sadd.s32 s8, s5;
	s9 =	smax.u32 s9, $0x1;
	s10 =	sadd.s32 s12, s10  }
0x10: {  	s12 =	simm.s32 $0x80;
	s4 =	sadd.s32 s7, s4;
	s11 =	sadd.s32 s8, s30  }
0x11: {  	s6 =	sadd.s32 $0x800, s5;
	s10 =	sadd.s32 $0x1800, s10;
	s4 =	sadd.s32 $0x400, s4  }
0x12: {  	s7 =	sadd.s32 $0x63000, s11;
	s8 =	sadd.s32 $0x63800, s11;
	s11 =	simm.s32 $0x9  }
.LBB2_1:
0x13: {  	[tilespmem:s3], [sflag:$0x9] =	stream.linear.gather [hbm4b:s4+s3], $0x6400, $0x38;
	[tilespmem:$0x16400] =	vst v63  }
0x14: {  	_ =	swait.ge [sflag:s11], $0x6400  }
0x15: {  	[sflag:s11] =	ssyncset.done $0x0  }
0x16: {  	[sflag:s11] =	ssyncadd.s32 $0xFFFF9C00  }
0x17: {  	[tilespmem:s13], [sflag:$0x1] =	stream.indirect.gather [hbm4b:s2+s12], $0x80, s3, s12, $0xb8;
	[tilespmem:$0x16400] =	vst v63  }
0x18: {  	_ = 	snop  }
0x19: {  	[tilespmem:s14], [sflag:$0x2] =	stream.indirect.gather [hbm4b:s2+s12], $0x80, s12, s12, $0xb8;
	[tilespmem:$0x16400] =	vst v63  }
0x1a: {  	_ =	swait.ge [sflag:s15], $0x4000  }
0x1b: {  	[sflag:s15] =	ssyncset.done $0x0  }
0x1c: {  	[sflag:s15] =	ssyncadd.s32 $0xFFFFC000  }
0x1d: {  	[hbm4b:s5+s3] =	stream.linear.scatter [tilespmem:s13], [sflag:$0x5], $0x4000, $0x38;
	[tilespmem:$0x16400] =	vst v63  }
0x1e: {  	_ = 	snop  }
0x1f: {  	[tilespmem:s17], [sflag:$0x3] =	stream.indirect.gather [hbm4b:s2+s12], $0x80, s16, s12, $0xb8;
	[tilespmem:$0x16400] =	vst v63  }
0x20: {  	_ =	swait.ge [sflag:s18], $0x4000  }
0x21: {  	[sflag:s18] =	ssyncset.done $0x0  }
0x22: {  	[sflag:s18] =	ssyncadd.s32 $0xFFFFC000  }
0x23: {  	[hbm4b:s6+s3] =	stream.linear.scatter [tilespmem:s14], [sflag:$0x6], $0x4000, $0x38;
	[tilespmem:$0x16400] =	vst v63  }
0x24: {  	_ = 	snop  }
0x25: {  	[tilespmem:s20], [sflag:$0x4] =	stream.indirect.gather [hbm4b:s2+s12], $0x80, s19, s12, $0xb8;
	[tilespmem:$0x16400] =	vst v63  }
0x26: {  	_ =	swait.ge [sflag:s21], $0x4000  }
0x27: {  	[sflag:s21] =	ssyncset.done $0x0  }
0x28: {  	s29 =	sadd.s32 $0xFFFFF800, s10;
	[sflag:s21] =	ssyncadd.s32 $0xFFFFC000  }
0x29: {  	[hbm4b:s29+s3] =	stream.linear.scatter [tilespmem:s17], [sflag:$0x7], $0x4000, $0x38;
	[tilespmem:$0x16400] =	vst v63  }
0x2a: {  	_ =	swait.ge [sflag:s22], $0x4000  }
0x2b: {  	[sflag:s22] =	ssyncset.done $0x0  }
0x2c: {  	s29 =	simm.s32 $0x200;
	[sflag:s22] =	ssyncadd.s32 $0xFFFFC000  }
0x2d: {  	[tilespmem:s13], [sflag:$0x1] =	stream.indirect.gather [hbm4b:s2+s12], $0x80, s29, s12, $0xb8;
	[tilespmem:$0x16400] =	vst v63  }
0x2e: {  	_ =	swait.ge [sflag:s23], $0x4000  }
0x2f: {  	[sflag:s23] =	ssyncset.done $0x0  }
0x30: {  	[sflag:s23] =	ssyncadd.s32 $0xFFFFC000  }
0x31: {  	[hbm4b:s10+s3] =	stream.linear.scatter [tilespmem:s20], [sflag:$0x8], $0x4000, $0x38;
	[tilespmem:$0x16400] =	vst v63  }
0x32: {  	_ =	swait.ge [sflag:s24], $0x4000  }
0x33: {  	[sflag:s24] =	ssyncset.done $0x0  }
0x34: {  	s29 =	simm.s32 $0x280;
	[sflag:s24] =	ssyncadd.s32 $0xFFFFC000  }
0x35: {  	[tilespmem:s14], [sflag:$0x2] =	stream.indirect.gather [hbm4b:s2+s12], $0x80, s29, s12, $0xb8;
	[tilespmem:$0x16400] =	vst v63  }
0x36: {  	_ =	swait.ge [sflag:s15], $0x4000  }
0x37: {  	[sflag:s15] =	ssyncset.done $0x0  }
0x38: {  	s29 =	sadd.s32 $0x800, s10;
	[sflag:s15] =	ssyncadd.s32 $0xFFFFC000  }
0x39: {  	[hbm4b:s29+s3] =	stream.linear.scatter [tilespmem:s13], [sflag:$0x5], $0x4000, $0x38;
	[tilespmem:$0x16400] =	vst v63  }
0x3a: {  	_ =	swait.ge [sflag:s25], $0x4000  }
0x3b: {  	[sflag:s25] =	ssyncset.done $0x0  }
0x3c: {  	s29 =	simm.s32 $0x300;
	[sflag:s25] =	ssyncadd.s32 $0xFFFFC000  }
0x3d: {  	[tilespmem:s17], [sflag:$0x3] =	stream.indirect.gather [hbm4b:s2+s12], $0x80, s29, s12, $0xb8;
	[tilespmem:$0x16400] =	vst v63  }
0x3e: {  	_ =	swait.ge [sflag:s18], $0x4000  }
0x3f: {  	[sflag:s18] =	ssyncset.done $0x0  }
0x40: {  	s29 =	sadd.s32 $0x1000, s10;
	[sflag:s18] =	ssyncadd.s32 $0xFFFFC000  }
0x41: {  	[hbm4b:s29+s3] =	stream.linear.scatter [tilespmem:s14], [sflag:$0x6], $0x4000, $0x38;
	[tilespmem:$0x16400] =	vst v63  }
0x42: {  	_ =	swait.ge [sflag:s26], $0x4000  }
0x43: {  	s31 =	simm.s32 $0x380;
	[sflag:s26] =	ssyncset.done $0x0  }
0x44: {  	s30 =	sadd.s32 $0x2000, s10;
	s29 =	simm.s32 $0x800;
	[sflag:s26] =	ssyncadd.s32 $0xFFFFC000  }
.LBB2_2:
0x45: {  	[tilespmem:s20], [sflag:$0x4] =	stream.indirect.gather [hbm4b:s2+s12], $0x80, s31, s12, $0xb8;
	[tilespmem:$0x16400] =	vst v63  }
0x46: {  	s31 =	smov.u32 s29  }
0x47: {  	p0 =	sne.s32 s29, $0x18000;
	s29 =	sadd.s32 $0x800, s29;
	_ =	swait.ge [sflag:s21], $0x4000  }
0x48: {  	[sflag:s21] =	ssyncset.done $0x0  }
0x49: {  	s1 =	sadd.s32 $0xFFFFF800, s30;
	[sflag:s21] =	ssyncadd.s32 $0xFFFFC000  }
0x4a: {  	[hbm4b:s1+s3] =	stream.linear.scatter [tilespmem:s17], [sflag:$0x7], $0x4000, $0x38;
	[tilespmem:$0x16400] =	vst v63  }
0x4b: {  	_ =	swait.ge [sflag:s22], $0x4000  }
0x4c: {  	s1 =	sshra.s32 s31, $0x2;
	[sflag:s22] =	ssyncset.done $0x0  }
0x4d: {  	s31 =	sadd.s32 $0x200, s1;
	[sflag:s22] =	ssyncadd.s32 $0xFFFFC000  }
0x4e: {  	[tilespmem:s13], [sflag:$0x1] =	stream.indirect.gather [hbm4b:s2+s12], $0x80, s31, s12, $0xb8;
	[tilespmem:$0x16400] =	vst v63  }
0x4f: {  	_ =	swait.ge [sflag:s23], $0x4000  }
0x50: {  	[sflag:s23] =	ssyncset.done $0x0  }
0x51: {  	[sflag:s23] =	ssyncadd.s32 $0xFFFFC000  }
0x52: {  	[hbm4b:s30+s3] =	stream.linear.scatter [tilespmem:s20], [sflag:$0x8], $0x4000, $0x38;
	[tilespmem:$0x16400] =	vst v63  }
0x53: {  	_ =	swait.ge [sflag:s24], $0x4000  }
0x54: {  	[sflag:s24] =	ssyncset.done $0x0  }
0x55: {  	s31 =	sadd.s32 $0x280, s1;
	[sflag:s24] =	ssyncadd.s32 $0xFFFFC000  }
0x56: {  	[tilespmem:s14], [sflag:$0x2] =	stream.indirect.gather [hbm4b:s2+s12], $0x80, s31, s12, $0xb8;
	[tilespmem:$0x16400] =	vst v63  }
0x57: {  	_ =	swait.ge [sflag:s15], $0x4000  }
0x58: {  	[sflag:s15] =	ssyncset.done $0x0  }
0x59: {  	s31 =	sadd.s32 $0x800, s30;
	[sflag:s15] =	ssyncadd.s32 $0xFFFFC000  }
0x5a: {  	[hbm4b:s31+s3] =	stream.linear.scatter [tilespmem:s13], [sflag:$0x5], $0x4000, $0x38;
	[tilespmem:$0x16400] =	vst v63  }
0x5b: {  	_ =	swait.ge [sflag:s25], $0x4000  }
0x5c: {  	[sflag:s25] =	ssyncset.done $0x0  }
0x5d: {  	s31 =	sadd.s32 $0x300, s1;
	[sflag:s25] =	ssyncadd.s32 $0xFFFFC000  }
0x5e: {  	[tilespmem:s17], [sflag:$0x3] =	stream.indirect.gather [hbm4b:s2+s12], $0x80, s31, s12, $0xb8;
	[tilespmem:$0x16400] =	vst v63  }
0x5f: {  	_ =	swait.ge [sflag:s18], $0x4000  }
0x60: {  	[sflag:s18] =	ssyncset.done $0x0  }
.Ltmp0:
0x61: {  	s31 =	sadd.s32 $0x1000, s30;
	[sflag:s18] =	ssyncadd.s32 $0xFFFFC000;
	(pc) =	sbr.rel @p0 .LBB2_2-.Ltmp0, $4  }
0x62: {  	[hbm4b:s31+s3] =	stream.linear.scatter [tilespmem:s14], [sflag:$0x6], $0x4000, $0x38;
	[tilespmem:$0x16400] =	vst v63  }
0x63: {  	_ =	swait.ge [sflag:s26], $0x4000  }
0x64: {  	[sflag:s26] =	ssyncset.done $0x0  }
0x65: {  	s30 =	sadd.s32 $0x2000, s30;
	s31 =	sadd.s32 $0x380, s1;
	[sflag:s26] =	ssyncadd.s32 $0xFFFFC000  }
0x66: {  	[tilespmem:s20], [sflag:$0x4] =	stream.indirect.gather [hbm4b:s2+s12], $0x80, s31, s12, $0xb8;
	[tilespmem:$0x16400] =	vst v63  }
0x67: {  	_ =	swait.ge [sflag:s21], $0x4000  }
0x68: {  	[sflag:s21] =	ssyncset.done $0x0  }
0x69: {  	[sflag:s21] =	ssyncadd.s32 $0xFFFFC000  }
0x6a: {  	[hbm4b:s7+s3] =	stream.linear.scatter [tilespmem:s17], [sflag:$0x7], $0x4000, $0x38;
	[tilespmem:$0x16400] =	vst v63  }
0x6b: {  	_ =	swait.ge [sflag:s23], $0x4000  }
0x6c: {  	[sflag:s23] =	ssyncset.done $0x0  }
0x6d: {  	[sflag:s23] =	ssyncadd.s32 $0xFFFFC000  }
0x6e: {  	[hbm4b:s8+s3] =	stream.linear.scatter [tilespmem:s20], [sflag:$0x8], $0x4000, $0x38;
	[tilespmem:$0x16400] =	vst v63  }
0x6f: {  	_ =	swait.ge [sflag:s22], $0x4000  }
0x70: {  	[sflag:s22] =	ssyncset.done $0x0  }
0x71: {  	[sflag:s22] =	ssyncadd.s32 $0xFFFFC000  }
0x72: {  	_ =	swait.ge [sflag:s24], $0x4000  }
0x73: {  	[sflag:s24] =	ssyncset.done $0x0  }
0x74: {  	s28 =	sadd.s32 $0x1, s28;
	[sflag:s24] =	ssyncadd.s32 $0xFFFFC000  }
0x75: {  	p0 =	sne.s32 s28, s9;
	_ =	swait.ge [sflag:s25], $0x4000  }
.Ltmp1:
0x76: {  	[sflag:s25] =	ssyncset.done $0x0;
	(pc) =	sbr.rel @p0 .LBB2_1-.Ltmp1, $4  }
0x77: {  	[sflag:s25] =	ssyncadd.s32 $0xFFFFC000  }
0x78: {  	_ =	swait.ge [sflag:s26], $0x4000  }
0x79: {  	[sflag:s26] =	ssyncset.done $0x0  }
0x7a: {  	[sflag:s26] =	ssyncadd.s32 $0xFFFFC000  }
0x7b: {  	_ =	sfence.sel $0x180000  }
0x7c: {  	[bflag:$0x0] =	sbarrier.arrive $0xFFFF  }
0x7d: {  	_ =	strace $0x90000047  }
0x7e: {  	[bflag:$0x2] =	sbarrier.arrive $0xFFFF  }
0x7f: {  	p0 =	sne.s32 s0, $0x0;
	s0 =	rddreg [dreg:$0x3]  }
0x80: {  	s0 =	sadd.s32 @!p0 $0x100000, s0  }
0x81: {  	[sflag:s0] =	ssyncadd.tile.s32 @!p0 $0x1;
	_ =	shalt  }
.Lfunc_end2:
_tile_overlayer_lowered:
.L_overlay_start_2:
0x82: {  	(tag) =	ssettag $0x2  }
0x83: {  	s0 =	rddreg [dreg:$0x0];
	s2 =	stileid.u32  }
0x84: {  	s1 =	rddreg [dreg:$0x1];
	p0 =	sne.s32 s2, $0x0  }
0x85: {  	s3 =	rddreg [dreg:$0x2];
	[bflag:$0x3] =	sbarrier.arrive $0xFFFF;
	s2 =	simm.s32 @!p0 $0x1C09  }
0x86: {  	[timem:s3], [sflag:s2] =	dma.local @!p0 [hbm:s0], s1  }
0x87: {  	s0 =	simm.s32 @!p0 $0x9  }
0x88: {  	_ =	swait.ge @!p0 [sflag:s0], s1  }
0x89: {  	s1 =	ssub.s32 @!p0 $0x0, s1;
	[sflag:s0] =	ssyncset.done @!p0 $0x0  }
0x8a: {  	[sflag:s0] =	ssyncadd.s32 @!p0 s1  }
0x8b: {  	[bflag:$0x3] =	sbarrier.arrive $0xFFFF  }
0x8c: {  	_ =	shalt  }

</sc_bundles>
